<compile_context>
chip_gen: v7x
topology: tpu7x:2x2x1
jax: 0.10.2.dev20260603
libtpu: 0.0.44.dev20260713+nightly
codegen_flags: <defaults>
</compile_context>

<pallas_src>
import dataclasses

import jax
import jax.numpy as jnp
import numpy as np
from jax import lax
from jax.experimental import pallas as pl
from jax.experimental.pallas import tpu as pltpu
from jax.experimental.pallas import tpu_sc as plsc

N = 10000
E = 320000
D = 128
NC = 2
NS = 16
NW = NC * NS
B = 128
NBLK = 2560
NBUF = 4
E_PAD = NBLK * B
BPW = NBLK // NW
PT = 624
ZROW = N
XLR = N + 8
NPAD = N + 8
ZR = 104

_f32 = jnp.float32
_bf16 = jnp.bfloat16

REAL_BLK = E // B
N_PAD_BLK = NBLK - REAL_BLK


def _block_order():
    pad_pos = np.linspace(0, NBLK - 1, N_PAD_BLK).round().astype(np.int64)
    order = np.empty(NBLK, np.int64)
    order[pad_pos] = REAL_BLK + np.arange(N_PAD_BLK)
    rest = np.setdiff1d(np.arange(NBLK), pad_pos)
    order[rest] = np.arange(REAL_BLK)
    return order


_BLOCK_ORDER = _block_order()



def _sc_prep_body(srcb_hbm, dstb_hbm, srcp_hbm, cntp_hbm, srcv, dstv, cntb):
    c = lax.axis_index("c")
    s = lax.axis_index("s")
    wid = c * NS + s

    zeros16 = jnp.zeros((16,), _f32)

    @pl.loop(0, N // 16)
    def _(k):
        cntb[pl.ds(k * 16, 16)] = zeros16

    blk0 = wid * BPW
    pltpu.sync_copy(srcb_hbm.at[pl.ds(blk0, BPW)], srcv)
    pltpu.sync_copy(dstb_hbm.at[pl.ds(blk0, BPW)], dstv)

    ones16 = jnp.ones((16,), _f32)

    @pl.loop(0, BPW)
    def _(j):
        @pl.loop(0, B // 16)
        def _(k):
            sv = srcv[j, pl.ds(k * 16, 16)]
            dv = dstv[j, pl.ds(k * 16, 16)]
            m = sv != dv
            mc = m & (sv < ZROW)
            plsc.addupdate_scatter(cntb, [dv], ones16, mask=mc)
            srcv[j, pl.ds(k * 16, 16)] = jnp.where(m, sv, ZROW)

    pltpu.sync_copy(srcv, srcp_hbm.at[pl.ds(blk0, BPW)])
    pltpu.sync_copy(cntb, cntp_hbm.at[pl.ds(wid * N, N)])



def _sc_scatter_body(xl2_hbm, srcp_hbm, dstb_hbm, part_hbm,
                     srcb, dstb, rows0, rows1, rows2, rows3, zbuf, acc,
                     gs0, gs1, gs2, gs3, ss0, ss1, ss2, ss3):
    c = lax.axis_index("c")
    s = lax.axis_index("s")

    zeros32 = jnp.zeros((32,), _bf16)

    blk0 = (c * NS + s) * BPW
    pltpu.async_copy(srcp_hbm.at[pl.ds(blk0, BPW)], srcb, gs0)
    pltpu.async_copy(dstb_hbm.at[pl.ds(blk0, BPW)], dstb, gs1)

    @pl.loop(0, ZR)
    def _(i):
        @pl.loop(0, D // 32)
        def _(k):
            zbuf[i, pl.ds(k * 32, 32)] = zeros32

    row0 = s * PT
    for i in range(PT // ZR):
        pltpu.async_copy(zbuf, acc.at[pl.ds(row0 + i * ZR, ZR)], ss0)

    @pl.when(s == 0)
    def _():
        pltpu.async_copy(zbuf.at[pl.ds(0, NPAD - NS * PT)],
                         acc.at[pl.ds(NS * PT, NPAD - NS * PT)], ss1)

    for i in range(PT // ZR):
        pltpu.make_async_copy(zbuf, acc.at[pl.ds(0, ZR)], ss0).wait()

    @pl.when(s == 0)
    def _():
        pltpu.make_async_copy(zbuf.at[pl.ds(0, NPAD - NS * PT)],
                              acc.at[pl.ds(0, NPAD - NS * PT)], ss1).wait()

    pltpu.make_async_copy(srcp_hbm.at[pl.ds(0, BPW)], srcb, gs0).wait()
    pltpu.make_async_copy(dstb_hbm.at[pl.ds(0, BPW)], dstb, gs1).wait()

    plsc.subcore_barrier()

    xl_hbm = xl2_hbm.at[c]

    rows = [rows0, rows1, rows2, rows3]
    gs = [gs0, gs1, gs2, gs3]
    ss = [ss0, ss1, ss2, ss3]

    def issue(j, b):
        pltpu.async_copy(xl_hbm.at[srcb.at[j]], rows[b], gs[b])

    def gdrain(b):
        pltpu.make_async_copy(xl_hbm.at[pl.ds(0, B)], rows[b], gs[b]).wait()

    def scat(j, b):
        pltpu.async_copy(rows[b], acc.at[dstb.at[j]], ss[b], add=True)

    def sdrain(b):
        pltpu.make_async_copy(rows[b], acc.at[pl.ds(0, B)], ss[b]).wait()

    for b in range(NBUF):
        issue(b, b)

    @pl.loop(0, BPW - NBUF, step=NBUF)
    def _(j):
        for b in range(NBUF):
            gdrain(b)
            scat(j + b, b)
        for b in range(NBUF):
            sdrain(b)
            issue(j + NBUF + b, b)

    for b in range(NBUF):
        gdrain(b)
        scat(BPW - NBUF + b, b)
    for b in range(NBUF):
        sdrain(b)

    plsc.subcore_barrier()

    pltpu.sync_copy(acc.at[pl.ds(row0, PT)],
                    part_hbm.at[c].at[pl.ds(row0, PT)])

    @pl.when(s == 0)
    def _():
        pltpu.sync_copy(acc.at[pl.ds(NS * PT, N - NS * PT)],
                        part_hbm.at[c].at[pl.ds(NS * PT, N - NS * PT)])


_sc_params = pltpu.CompilerParams()
if "needs_layout_passes" in pltpu.CompilerParams.__dataclass_fields__:
    _sc_params = dataclasses.replace(_sc_params, needs_layout_passes=False)
if "use_tc_tiling_on_sc" in pltpu.CompilerParams.__dataclass_fields__:
    _sc_params = dataclasses.replace(_sc_params, use_tc_tiling_on_sc=False)

_sc_mesh = plsc.VectorSubcoreMesh(core_axis_name="c", subcore_axis_name="s")


@jax.jit
def _sc_prep(srcb, dstb):
    fn = pl.kernel(
        _sc_prep_body,
        out_type=[
            jax.ShapeDtypeStruct((NBLK, B), jnp.int32),
            jax.ShapeDtypeStruct((NW * N,), _f32),
        ],
        mesh=_sc_mesh,
        scratch_types=[
            pltpu.VMEM((BPW, B), jnp.int32),
            pltpu.VMEM((BPW, B), jnp.int32),
            pltpu.VMEM((N,), _f32),
        ],
        compiler_params=_sc_params,
    )
    return fn(srcb, dstb)


@jax.jit
def _sc_scatter(xlbf, srcp, dstb):
    fn = pl.kernel(
        _sc_scatter_body,
        out_type=jax.ShapeDtypeStruct((NC, N, D), _bf16),
        mesh=_sc_mesh,
        scratch_types=[
            pltpu.VMEM((BPW, B), jnp.int32),
            pltpu.VMEM((BPW, B), jnp.int32),
            pltpu.VMEM((B, D), _bf16),
            pltpu.VMEM((B, D), _bf16),
            pltpu.VMEM((B, D), _bf16),
            pltpu.VMEM((B, D), _bf16),
            pltpu.VMEM((ZR, D), _bf16),
            pltpu.VMEM_SHARED((NPAD, D), _bf16),
        ] + [pltpu.SemaphoreType.DMA] * (2 * NBUF),
        compiler_params=_sc_params,
    )
    return fn(xlbf, srcp, dstb)



def _combine(part_ref, xlbf_ref, xr_ref, cntT_ref):
    cnt = 1.0 + jnp.sum(cntT_ref[...], axis=1, keepdims=True)
    msum = (part_ref[0].astype(_f32) + part_ref[1].astype(_f32)
            + xlbf_ref[0, : N].astype(_f32))
    return msum / cnt + xr_ref[...]


def _tc_pre_body(x_ref, wlT_ref, bl_ref, wrT_ref, br_ref, xlbf_ref, xr_ref):
    xv = x_ref[...]
    xl = jnp.dot(xv, wlT_ref[...], preferred_element_type=_f32) + bl_ref[...]
    xlp = jnp.concatenate([xl.astype(_bf16), jnp.zeros((XLR - N, D), _bf16)])
    xlbf_ref[...] = jnp.stack([xlp, xlp])
    xr_ref[...] = jnp.dot(xv, wrT_ref[...], preferred_element_type=_f32) + br_ref[...]


def _tc_mid_body(part_ref, xlbf_ref, xr_ref, cntT_ref, g_ref, b_ref,
                 wlT_ref, bl_ref, wrT_ref, br_ref, oxlbf_ref, oxr_ref):
    h = _combine(part_ref, xlbf_ref, xr_ref, cntT_ref)
    m = jnp.mean(h, axis=0, keepdims=True)
    d = h - m
    v = jnp.mean(d * d, axis=0, keepdims=True)
    hb = d * (g_ref[...] * lax.rsqrt(v + 1e-5)) + b_ref[...]
    oxl = jnp.dot(hb, wlT_ref[...], preferred_element_type=_f32) + bl_ref[...]
    oxlp = jnp.concatenate([oxl.astype(_bf16), jnp.zeros((XLR - N, D), _bf16)])
    oxlbf_ref[...] = jnp.stack([oxlp, oxlp])
    oxr_ref[...] = jnp.dot(hb, wrT_ref[...], preferred_element_type=_f32) + br_ref[...]


def _tc_final_body(part_ref, xlbf_ref, xr_ref, cntT_ref, ls_ref, h_ref):
    h = _combine(part_ref, xlbf_ref, xr_ref, cntT_ref)
    mx = jnp.max(h, axis=1, keepdims=True)
    e = jnp.exp(h - mx)
    lse = jnp.log(jnp.sum(e, axis=1, keepdims=True)) + mx
    ls_ref[...] = h - lse
    h_ref[...] = h


_nd_t = jax.ShapeDtypeStruct((N, D), _f32)
_ndbf_t = jax.ShapeDtypeStruct((NC, XLR, D), _bf16)

_tc_pre = pl.pallas_call(_tc_pre_body, out_shape=[_ndbf_t, _nd_t])
_tc_mid = pl.pallas_call(_tc_mid_body, out_shape=[_ndbf_t, _nd_t])
_tc_final = pl.pallas_call(_tc_final_body, out_shape=[_nd_t, _nd_t])


def kernel(x, edge_index, w_l0, b_l0, w_r0, b_r0, w_l1, b_l1, w_r1, b_r1,
           w_l2, b_l2, w_r2, b_r2, bn_g0, bn_b0, bn_g1, bn_b1):
    pad_src = jnp.full((E_PAD - E,), ZROW, jnp.int32)
    pad_dst = jnp.arange(E_PAD - E, dtype=jnp.int32) % N
    srcb = jnp.concatenate([edge_index[0], pad_src]).reshape(NBLK, B)[_BLOCK_ORDER]
    dstb = jnp.concatenate([edge_index[1], pad_dst]).reshape(NBLK, B)[_BLOCK_ORDER]

    def row(v):
        return v.reshape(1, D)

    srcp, cntp = _sc_prep(srcb, dstb)
    cntT = cntp.reshape(NW, N).T

    xl0, xr0 = _tc_pre(x, w_l0.T, row(b_l0), w_r0.T, row(b_r0))
    part0 = _sc_scatter(xl0, srcp, dstb)

    xl1, xr1 = _tc_mid(part0, xl0, xr0, cntT, row(bn_g0), row(bn_b0),
                       w_l1.T, row(b_l1), w_r1.T, row(b_r1))
    part1 = _sc_scatter(xl1, srcp, dstb)

    xl2, xr2 = _tc_mid(part1, xl1, xr1, cntT, row(bn_g1), row(bn_b1),
                       w_l2.T, row(b_l2), w_r2.T, row(b_r2))
    part2 = _sc_scatter(xl2, srcp, dstb)

    ls, h = _tc_final(part2, xl2, xr2, cntT)
    return (ls, h)

# --- scband reference (transcript-rebuilt; emitter-appended) ---
"""Pipeline reference for scband-graph-sage-75204877353213 (READ-ONLY COPY).

The authoritative reference and input builder live on the scoring server;
editing this copy changes nothing except your own understanding.
"""

import jax, jax.numpy as jnp
import numpy as np

N = 10000
E = 320000
D_IN = 128
H = 128
D_OUT = 128


def _lin_init(key, out_dim, in_dim):
    k1, k2 = jax.random.split(key)
    s = 1.0 / np.sqrt(in_dim)
    W = jax.random.uniform(k1, (out_dim, in_dim), minval=-s, maxval=s, dtype=jnp.float32)
    b = jax.random.uniform(k2, (out_dim,), minval=-s, maxval=s, dtype=jnp.float32)
    return W, b


def setup_inputs(seed: int = 0) -> dict:
    key = jax.random.key(seed)
    ks = jax.random.split(key, 16)
    inp = {}
    inp["x"] = jax.random.normal(ks[0], (N, D_IN), dtype=jnp.float32)
    inp["edge_index"] = jax.random.randint(ks[1], (2, E), 0, N, dtype=jnp.int32)
    dims = [(H, D_IN), (H, H), (D_OUT, H)]
    for l, (o, i) in enumerate(dims):
        wl, bl = _lin_init(ks[2 + 2 * l], o, i)
        wr, br = _lin_init(ks[3 + 2 * l], o, i)
        inp[f"w_l{l}"] = wl
        inp[f"b_l{l}"] = bl
        inp[f"w_r{l}"] = wr
        inp[f"b_r{l}"] = br
    for l in range(2):
        inp[f"bn_g{l}"] = jnp.ones((H,), dtype=jnp.float32)
        inp[f"bn_b{l}"] = jnp.zeros((H,), dtype=jnp.float32)
    return inp


def _build_edges(edge_index, num_nodes):
    src = edge_index[0]
    dst = edge_index[1]
    w = (src != dst).astype(jnp.float32)
    loop = jnp.arange(num_nodes, dtype=src.dtype)
    src = jnp.concatenate([src, loop])
    dst = jnp.concatenate([dst, loop])
    w = jnp.concatenate([w, jnp.ones((num_nodes,), dtype=jnp.float32)])
    return src, dst, w


def _sage_conv(x, src, dst, w, num_nodes, wl, bl, wr, br):
    x_l = x @ wl.T + bl
    x_r = x @ wr.T + br
    msg_sum = jax.ops.segment_sum(x_l[src] * w[:, None], dst, num_segments=num_nodes)
    cnt = jax.ops.segment_sum(w.astype(x_l.dtype), dst, num_segments=num_nodes)
    out = msg_sum / cnt[:, None]
    return out + x_r


def _batch_norm(x, g, b, eps=1e-5):
    m = jnp.mean(x, axis=0)
    v = jnp.var(x, axis=0)
    return (x - m) / jnp.sqrt(v + eps) * g + b


def reference(x, edge_index, w_l0, b_l0, w_r0, b_r0, w_l1, b_l1, w_r1, b_r1, w_l2, b_l2, w_r2, b_r2, bn_g0, bn_b0, bn_g1, bn_b1):
    n = x.shape[0]
    src, dst, w = _build_edges(edge_index, n)
    h = _sage_conv(x, src, dst, w, n, w_l0, b_l0, w_r0, b_r0)
    h = _batch_norm(h, bn_g0, bn_b0)
    h = _sage_conv(h, src, dst, w, n, w_l1, b_l1, w_r1, b_r1)
    h = _batch_norm(h, bn_g1, bn_b1)
    h = _sage_conv(h, src, dst, w, n, w_l2, b_l2, w_r2, b_r2)
    return (jax.nn.log_softmax(h, axis=1), h)

if __name__ == "__main__":
    import jax
    _d = setup_inputs()
    print(jax.jit(kernel)(*tuple(_d.values())))

</pallas_src>

<mosaic_0001>
#map = affine_map<(d0, d1) -> (0, 0)>
#map1 = affine_map<(d0, d1) -> (0)>
module attributes {stable_mosaic.version = 14 : i64} {
  func.func @_sc_prep_body(%arg0: i32, %arg1: i32, %arg2: memref<2560x128xi32, #tpu.memory_space<hbm>>, %arg3: memref<2560x128xi32, #tpu.memory_space<hbm>>, %arg4: memref<2560x128xi32, #tpu.memory_space<hbm>>, %arg5: memref<320000xf32, #tpu.memory_space<hbm>>, %arg6: memref<80x128xi32, #tpu.memory_space<vmem>>, %arg7: memref<80x128xi32, #tpu.memory_space<vmem>>, %arg8: memref<10000xf32, #tpu.memory_space<vmem>>) attributes {dimension_semantics = [#tpu.dimension_semantics<core_parallel>, #tpu.dimension_semantics<subcore_parallel>], iteration_bounds = array<i64: 2, 16>, scalar_prefetch = 0 : i64, scratch_operands = 3 : i64, tpu.core_type = #tpu.core_type<sc_vector_subcore>, window_params = [{transform_indices = #map}, {transform_indices = #map}, {transform_indices = #map}, {transform_indices = #map1}]} {
    %mul3A = arith.constant 16 : i32
    %mul3A_0 = arith.muli %arg0, %mul3A : i32
    %add3A = arith.addi %mul3A_0, %arg1 : i32
    %broadcast_in_dim3A = arith.constant 0.000000e+00 : f32
    %broadcast_in_dim3A_1 = vector.broadcast %broadcast_in_dim3A : f32 to vector<16xf32>
    %scan3A = arith.constant 0 : i32
    %scan3A_2 = arith.constant 625 : i32
    %scan3A_3 = arith.addi %scan3A, %scan3A_2 : i32
    %scan3A_4 = arith.constant 1 : i32
    scf.for %scan3A_17 = %scan3A to %scan3A_3 step %scan3A_4  : i32 {
      %mul3A_18 = arith.constant 1 : i32
      %mul3A_19 = arith.muli %scan3A_17, %mul3A_18 : i32
      %add3A_20 = arith.constant 0 : i32
      %add3A_21 = arith.addi %add3A_20, %mul3A_19 : i32
      %mul3A_22 = arith.constant 16 : i32
      %mul3A_23 = arith.muli %add3A_21, %mul3A_22 : i32
      %swap3A = arith.index_cast %mul3A_23 : i32 to index
      %swap3A_24 = tpu.vector_load %arg8[%swap3A] {strides = array<i32>} : memref<10000xf32, #tpu.memory_space<vmem>>, vector<16xf32>,
      tpu.vector_store %arg8[%swap3A], %broadcast_in_dim3A_1 {strides = array<i32>} : memref<10000xf32, #tpu.memory_space<vmem>>, vector<16xf32>,
    }
    %scan3A_5 = arith.constant 625 : i32
    %mul3A_6 = arith.constant 80 : i32
    %mul3A_7 = arith.muli %add3A, %mul3A_6 : i32
    "tpu.region"() ({
      %run_scoped3A = tpu.sem_alloc : memref<!tpu.dma_semaphore, #tpu.memory_space<semaphore_mem>>
      %dma_start3A = arith.constant 0 : i32
      %dma_start3A_17 = tpu.memref_slice %arg2[%mul3A_7, %dma_start3A] : memref<2560x128xi32, #tpu.memory_space<hbm>> -> memref<80x128xi32, #tpu.memory_space<hbm>>
      %dma_start3A_18 = arith.constant 0 : i32
      %dma_start3A_19 = tpu.memref_slice %arg2[%mul3A_7, %dma_start3A_18] : memref<2560x128xi32, #tpu.memory_space<hbm>> -> memref<80x128xi32, #tpu.memory_space<hbm>>
      tpu.enqueue_dma source(%dma_start3A_19 : memref<80x128xi32, #tpu.memory_space<hbm>>) target(%arg6 : memref<80x128xi32, #tpu.memory_space<vmem>>) target_semaphore(%run_scoped3A : memref<!tpu.dma_semaphore, #tpu.memory_space<semaphore_mem>>)
      %dma_wait3A = arith.constant 0 : i32
      %dma_wait3A_20 = tpu.memref_slice %arg2[%mul3A_7, %dma_wait3A] : memref<2560x128xi32, #tpu.memory_space<hbm>> -> memref<80x128xi32, #tpu.memory_space<hbm>>
      %dma_wait3A_21 = arith.constant 0 : i32
      %dma_wait3A_22 = tpu.memref_slice %arg2[%mul3A_7, %dma_wait3A_21] : memref<2560x128xi32, #tpu.memory_space<hbm>> -> memref<80x128xi32, #tpu.memory_space<hbm>>
      tpu.wait_dma2 semaphore(%run_scoped3A : memref<!tpu.dma_semaphore, #tpu.memory_space<semaphore_mem>>) src(%dma_wait3A_22 : memref<80x128xi32, #tpu.memory_space<hbm>>) dst(%arg6 : memref<80x128xi32, #tpu.memory_space<vmem>>)
      tpu.yield
    }) : () -> ()
    "tpu.region"() ({
      %run_scoped3A = tpu.sem_alloc : memref<!tpu.dma_semaphore, #tpu.memory_space<semaphore_mem>>
      %dma_start3A = arith.constant 0 : i32
      %dma_start3A_17 = tpu.memref_slice %arg3[%mul3A_7, %dma_start3A] : memref<2560x128xi32, #tpu.memory_space<hbm>> -> memref<80x128xi32, #tpu.memory_space<hbm>>
      %dma_start3A_18 = arith.constant 0 : i32
      %dma_start3A_19 = tpu.memref_slice %arg3[%mul3A_7, %dma_start3A_18] : memref<2560x128xi32, #tpu.memory_space<hbm>> -> memref<80x128xi32, #tpu.memory_space<hbm>>
      tpu.enqueue_dma source(%dma_start3A_19 : memref<80x128xi32, #tpu.memory_space<hbm>>) target(%arg7 : memref<80x128xi32, #tpu.memory_space<vmem>>) target_semaphore(%run_scoped3A : memref<!tpu.dma_semaphore, #tpu.memory_space<semaphore_mem>>)
      %dma_wait3A = arith.constant 0 : i32
      %dma_wait3A_20 = tpu.memref_slice %arg3[%mul3A_7, %dma_wait3A] : memref<2560x128xi32, #tpu.memory_space<hbm>> -> memref<80x128xi32, #tpu.memory_space<hbm>>
      %dma_wait3A_21 = arith.constant 0 : i32
      %dma_wait3A_22 = tpu.memref_slice %arg3[%mul3A_7, %dma_wait3A_21] : memref<2560x128xi32, #tpu.memory_space<hbm>> -> memref<80x128xi32, #tpu.memory_space<hbm>>
      tpu.wait_dma2 semaphore(%run_scoped3A : memref<!tpu.dma_semaphore, #tpu.memory_space<semaphore_mem>>) src(%dma_wait3A_22 : memref<80x128xi32, #tpu.memory_space<hbm>>) dst(%arg7 : memref<80x128xi32, #tpu.memory_space<vmem>>)
      tpu.yield
    }) : () -> ()
    %broadcast_in_dim3A_8 = arith.constant 1.000000e+00 : f32
    %broadcast_in_dim3A_9 = vector.broadcast %broadcast_in_dim3A_8 : f32 to vector<16xf32>
    %scan3A_10 = arith.constant 0 : i32
    %scan3A_11 = arith.constant 80 : i32
    %scan3A_12 = arith.addi %scan3A_10, %scan3A_11 : i32
    %scan3A_13 = arith.constant 1 : i32
    scf.for %scan3A_17 = %scan3A_10 to %scan3A_12 step %scan3A_13  : i32 {
      %mul3A_18 = arith.constant 1 : i32
      %mul3A_19 = arith.muli %scan3A_17, %mul3A_18 : i32
      %add3A_20 = arith.constant 0 : i32
      %add3A_21 = arith.addi %add3A_20, %mul3A_19 : i32
      %scan3A_22 = arith.constant 0 : i32
      %scan3A_23 = arith.constant 8 : i32
      %scan3A_24 = arith.addi %scan3A_22, %scan3A_23 : i32
      %scan3A_25 = arith.constant 1 : i32
      scf.for %scan3A_27 = %scan3A_22 to %scan3A_24 step %scan3A_25  : i32 {
        %mul3A_28 = arith.constant 1 : i32
        %mul3A_29 = arith.muli %scan3A_27, %mul3A_28 : i32
        %add3A_30 = arith.constant 0 : i32
        %add3A_31 = arith.addi %add3A_30, %mul3A_29 : i32
        %mul3A_32 = arith.constant 16 : i32
        %mul3A_33 = arith.muli %add3A_31, %mul3A_32 : i32
        %get3A = arith.index_cast %add3A_21 : i32 to index
        %get3A_34 = arith.index_cast %mul3A_33 : i32 to index
        %get3A_35 = tpu.vector_load %arg6[%get3A, %get3A_34] {strides = array<i32>} : memref<80x128xi32, #tpu.memory_space<vmem>>, vector<16xi32>,
        %mul3A_36 = arith.constant 16 : i32
        %mul3A_37 = arith.muli %add3A_31, %mul3A_36 : i32
        %get3A_38 = arith.index_cast %add3A_21 : i32 to index
        %get3A_39 = arith.index_cast %mul3A_37 : i32 to index
        %get3A_40 = tpu.vector_load %arg7[%get3A_38, %get3A_39] {strides = array<i32>} : memref<80x128xi32, #tpu.memory_space<vmem>>, vector<16xi32>,
        %ne3A = arith.cmpi ne, %get3A_35, %get3A_40 : vector<16xi32>
        %lt3A = arith.constant 10000 : i32
        %lt3A_41 = vector.broadcast %lt3A : i32 to vector<16xi32>
        %lt3A_42 = arith.cmpi slt, %get3A_35, %lt3A_41 : vector<16xi32>
        %and3A = arith.andi %ne3A, %lt3A_42 : vector<16xi1>
        tpu.vector_store_idx %arg8[%get3A_40], %broadcast_in_dim3A_9 masked %and3A {add = true} : memref<10000xf32, #tpu.memory_space<vmem>>[vector<16xi32>], vector<16xf32>, vector<16xi1>
        %jit3A = arith.constant 10000 : i32
        %broadcast_in_dim3A_43 = vector.broadcast %jit3A : i32 to vector<16xi32>
        %select_n3A = arith.select %ne3A, %get3A_35, %broadcast_in_dim3A_43 : vector<16xi1>, vector<16xi32>
        %mul3A_44 = arith.constant 16 : i32
        %mul3A_45 = arith.muli %add3A_31, %mul3A_44 : i32
        %swap3A = arith.index_cast %add3A_21 : i32 to index
        %swap3A_46 = arith.index_cast %mul3A_45 : i32 to index
        %swap3A_47 = tpu.vector_load %arg6[%swap3A, %swap3A_46] {strides = array<i32>} : memref<80x128xi32, #tpu.memory_space<vmem>>, vector<16xi32>,
        tpu.vector_store %arg6[%swap3A, %swap3A_46], %select_n3A {strides = array<i32>} : memref<80x128xi32, #tpu.memory_space<vmem>>, vector<16xi32>,
      }
      %scan3A_26 = arith.constant 8 : i32
    }
    %scan3A_14 = arith.constant 80 : i32
    "tpu.region"() ({
      %run_scoped3A = tpu.sem_alloc : memref<!tpu.dma_semaphore, #tpu.memory_space<semaphore_mem>>
      %dma_start3A = arith.constant 0 : i32
      %dma_start3A_17 = tpu.memref_slice %arg4[%mul3A_7, %dma_start3A] : memref<2560x128xi32, #tpu.memory_space<hbm>> -> memref<80x128xi32, #tpu.memory_space<hbm>>
      %dma_start3A_18 = arith.constant 0 : i32
      %dma_start3A_19 = tpu.memref_slice %arg4[%mul3A_7, %dma_start3A_18] : memref<2560x128xi32, #tpu.memory_space<hbm>> -> memref<80x128xi32, #tpu.memory_space<hbm>>
      tpu.enqueue_dma source(%arg6 : memref<80x128xi32, #tpu.memory_space<vmem>>) target(%dma_start3A_19 : memref<80x128xi32, #tpu.memory_space<hbm>>) target_semaphore(%run_scoped3A : memref<!tpu.dma_semaphore, #tpu.memory_space<semaphore_mem>>)
      %dma_wait3A = arith.constant 0 : i32
      %dma_wait3A_20 = tpu.memref_slice %arg4[%mul3A_7, %dma_wait3A] : memref<2560x128xi32, #tpu.memory_space<hbm>> -> memref<80x128xi32, #tpu.memory_space<hbm>>
      %dma_wait3A_21 = arith.constant 0 : i32
      %dma_wait3A_22 = tpu.memref_slice %arg4[%mul3A_7, %dma_wait3A_21] : memref<2560x128xi32, #tpu.memory_space<hbm>> -> memref<80x128xi32, #tpu.memory_space<hbm>>
      tpu.wait_dma2 semaphore(%run_scoped3A : memref<!tpu.dma_semaphore, #tpu.memory_space<semaphore_mem>>) src(%arg6 : memref<80x128xi32, #tpu.memory_space<vmem>>) dst(%dma_wait3A_22 : memref<80x128xi32, #tpu.memory_space<hbm>>)
      tpu.yield
    }) : () -> ()
    %mul3A_15 = arith.constant 10000 : i32
    %mul3A_16 = arith.muli %add3A, %mul3A_15 : i32
    "tpu.region"() ({
      %run_scoped3A = tpu.sem_alloc : memref<!tpu.dma_semaphore, #tpu.memory_space<semaphore_mem>>
      %dma_start3A = tpu.memref_slice %arg5[%mul3A_16] : memref<320000xf32, #tpu.memory_space<hbm>> -> memref<10000xf32, #tpu.memory_space<hbm>>
      %dma_start3A_17 = tpu.memref_slice %arg5[%mul3A_16] : memref<320000xf32, #tpu.memory_space<hbm>> -> memref<10000xf32, #tpu.memory_space<hbm>>
      tpu.enqueue_dma source(%arg8 : memref<10000xf32, #tpu.memory_space<vmem>>) target(%dma_start3A_17 : memref<10000xf32, #tpu.memory_space<hbm>>) target_semaphore(%run_scoped3A : memref<!tpu.dma_semaphore, #tpu.memory_space<semaphore_mem>>)
      %dma_wait3A = tpu.memref_slice %arg5[%mul3A_16] : memref<320000xf32, #tpu.memory_space<hbm>> -> memref<10000xf32, #tpu.memory_space<hbm>>
      %dma_wait3A_18 = tpu.memref_slice %arg5[%mul3A_16] : memref<320000xf32, #tpu.memory_space<hbm>> -> memref<10000xf32, #tpu.memory_space<hbm>>
      tpu.wait_dma2 semaphore(%run_scoped3A : memref<!tpu.dma_semaphore, #tpu.memory_space<semaphore_mem>>) src(%arg8 : memref<10000xf32, #tpu.memory_space<vmem>>) dst(%dma_wait3A_18 : memref<10000xf32, #tpu.memory_space<hbm>>)
      tpu.yield
    }) : () -> ()
    return
  }
}

</mosaic_0001>

<sc_bundles>
// kernel: _sc_prep.3.cloned.1.call-start
scs
__scs_entry_jumppad:
0x0: {  	(pc) =	sbr.rel $0x88, $3  }
0x1: {  	(tag) =	ssettag $0x0;
	lr =	simm.s32 $0x1  }
0x2: {  	[smem:$0x3F9F] =	sst lr;
	_ =	strace $0xD0000000  }
0x3: {  	_ = 	snop  }
0x4: {  	_ = 	snop  }
0x5: {  	_ = 	snop  }
0x6: {  	_ = 	snop  }
0x7: {  	_ = 	snop  }
__scs_overlays_trampoline_lowered:
0x8: {  	[smem:$0x3FAE] =	sst s0  }
0x9: {  	[smem:$0x3FAF] =	sst s1  }
0xa: {  	[smem:$0x3FB0] =	sst s2  }
0xb: {  	[smem:$0x3FB1] =	sst s3  }
0xc: {  	[smem:$0x3FB2] =	sst s4  }
0xd: {  	[smem:$0x3FB3] =	sst s5  }
0xe: {  	[smem:$0x3FB4] =	sst s6  }
0xf: {  	[smem:$0x3FB5] =	sst s7  }
0x10: {  	[smem:$0x3FB6] =	sst s8  }
0x11: {  	[smem:$0x3FB7] =	sst s9;
	s0 =	simm.s32 @!p0 $0x0  }
0x12: {  	s1 =	sld [smem:$0x3F9D];
	s0 =	simm.s32 @p0 $0x1  }
0x13: {  	[smem:$0x3FB8] =	sst s0;
	s0 =	simm.s32 @!p1 $0x0  }
0x14: {  	s2 =	sld [smem:$0x3F9C];
	s0 =	simm.s32 @p1 $0x1  }
0x15: {  	[smem:$0x3FB9] =	sst s0;
	s0 =	simm.s32 @!p2 $0x0  }
0x16: {  	s3 =	sld [smem:$0x3FDB];
	s0 =	simm.s32 @p2 $0x1  }
0x17: {  	s4 =	simm.s32 $0x1BF5;
	[smem:$0x3FBB] =	sst s0  }
0x18: {  	s0 =	sld [smem:$0x3F9E];
	_ =	swait.ge [sflag:s4], $0x0  }
0x19: {  	s7 =	sld [smem:$0x3F9F]  }
0x1a: {  	s8 =	sadd.s32 $0xFFFFE003, lr  }
0x1b: {  	s9 =	sadd.s32 $0xFFFFFEF7, lr;
	s5 =	simm.s32 $0xFFFFFFFF;
	p2 =	slt.u32 s8, $0xFFFFF086  }
0x1c: {  	p1 =	slt.u32 s9, $0xF7A;
	s5 =	simm.s32 @!p2 $0x0  }
0x1d: {  	s5 =	simm.s32 @p1 $0x1;
	p0 =	seq.s32 s7, s2  }
0x1e: {  	s7 =	smul.u32 @!p0 $0xF7A, s2;
	p2 =	seq.s32 @!p0 s5, $0x0  }
0x1f: {  	s9 =	smul.u32 $0xF7A, s1;
	s8 =	simm.s32 @!p0 $0x1BF5;
	p2 =	por !p2, p0  }
0x20: {  	[sflag:s8] =	ssyncset.s32 @!p0 $0xFFFFF086;
	s6 =	sadd.s32 @!p0 s3, s7;
	s7 =	simm.s32 @!p0 $0x108  }
0x21: {  	s3 =	sadd.s32 s3, s9;
	s6 =	sadd.s32 @!p0 $0x88, s6;
	s7 =	simm.s32 @p2 $0x1082  }
0x22: {  	[simem:s7], [sflag:s8] =	dma.local @!p0 [hbm:s6], $0xF7A  }
0x23: {  	s9 =	sor.u32 $0xD0000000, s2;
	s6 =	simm.s32 $0x108;
	_ =	swait.ge @!p0 [sflag:s8], $0x0  }
0x24: {  	s3 =	sadd.s32 $0x88, s3;
	s6 =	simm.s32 @!p1 $0x1082;
	[sflag:s4] =	ssyncset.s32 $0xFFFFF086  }
0x25: {  	[simem:s6], [sflag:s4] =	dma.local [hbm:s3], $0xF7A  }
0x26: {  	[smem:$0x3F9F] =	sst s1;
	(tag) =	ssettag s2;
	_ =	strace s9  }
0x27: {  	s1 =	sld [smem:$0x3FAF]  }
0x28: {  	s2 =	sld [smem:$0x3FB0]  }
0x29: {  	s4 =	sld [smem:$0x3FB2]  }
0x2a: {  	p0 =	seq.s32 s5, $0x0;
	s5 =	sld [smem:$0x3FB3]  }
0x2b: {  	s6 =	sld [smem:$0x3FB4]  }
0x2c: {  	s7 =	sld [smem:$0x3FB5]  }
0x2d: {  	s3 =	simm.s32 $0x108;
	s8 =	sld [smem:$0x3FB6]  }
0x2e: {  	s3 =	simm.s32 @!p0 $0x1082;
	s9 =	sld [smem:$0x3FB7]  }
0x2f: {  	lr =	sadd.s32 s0, s3;
	s0 =	sld [smem:$0x3FAE]  }
0x30: {  	s3 =	sld [smem:$0x3FB1]  }
0x31: {  	[smem:$0x3FBA] =	sst s10  }
0x32: {  	s10 =	sld [smem:$0x3FB8];
	_ =	sdelay $0x3  }
0x33: {  	p0 =	seq.s32 s10, $0x1;
	s10 =	sld [smem:$0x3FBA];
	_ =	sdelay $0x3  }
0x34: {  	[smem:$0x3FBA] =	sst s10  }
0x35: {  	s10 =	sld [smem:$0x3FB9];
	_ =	sdelay $0x3  }
0x36: {  	p1 =	seq.s32 s10, $0x1;
	s10 =	sld [smem:$0x3FBA];
	_ =	sdelay $0x3  }
0x37: {  	[smem:$0x3FBA] =	sst s10  }
0x38: {  	s10 =	sld [smem:$0x3FBB]  }
0x39: {  	_ = 	snop;
	(pc) =	sbr.ind lr, $3  }
0x3a: {  	_ = 	snop  }
0x3b: {  	_ = 	snop  }
0x3c: {  	p2 =	seq.s32 s10, $0x1;
	s10 =	sld [smem:$0x3FBA]  }
0x3d: {  	_ =	shalt  }
0x3e: {  	_ =	shalt  }
0x3f: {  	_ =	shalt  }
0x40: {  	_ =	shalt  }
0x41: {  	_ =	shalt  }
0x42: {  	_ =	shalt  }
0x43: {  	_ =	shalt  }
0x44: {  	_ =	shalt  }
0x45: {  	_ =	shalt  }
0x46: {  	_ =	shalt  }
0x47: {  	_ =	shalt  }
0x48: {  	_ =	shalt  }
0x49: {  	_ =	shalt  }
0x4a: {  	_ =	shalt  }
0x4b: {  	_ =	shalt  }
0x4c: {  	_ =	shalt  }
0x4d: {  	_ =	shalt  }
0x4e: {  	_ =	shalt  }
0x4f: {  	_ =	shalt  }
0x50: {  	_ =	shalt  }
0x51: {  	_ =	shalt  }
0x52: {  	_ =	shalt  }
0x53: {  	_ =	shalt  }
0x54: {  	_ =	shalt  }
0x55: {  	_ =	shalt  }
0x56: {  	_ =	shalt  }
0x57: {  	_ =	shalt  }
0x58: {  	_ =	shalt  }
0x59: {  	_ =	shalt  }
0x5a: {  	_ =	shalt  }
0x5b: {  	_ =	shalt  }
0x5c: {  	_ =	shalt  }
0x5d: {  	_ =	shalt  }
0x5e: {  	_ =	shalt  }
0x5f: {  	_ =	shalt  }
0x60: {  	_ =	shalt  }
0x61: {  	_ =	shalt  }
0x62: {  	_ =	shalt  }
0x63: {  	_ =	shalt  }
0x64: {  	_ =	shalt  }
0x65: {  	_ =	shalt  }
0x66: {  	_ =	shalt  }
0x67: {  	_ =	shalt  }
0x68: {  	_ =	shalt  }
0x69: {  	_ =	shalt  }
0x6a: {  	_ =	shalt  }
0x6b: {  	_ =	shalt  }
0x6c: {  	_ =	shalt  }
0x6d: {  	_ =	shalt  }
0x6e: {  	_ =	shalt  }
0x6f: {  	_ =	shalt  }
0x70: {  	_ =	shalt  }
0x71: {  	_ =	shalt  }
0x72: {  	_ =	shalt  }
0x73: {  	_ =	shalt  }
0x74: {  	_ =	shalt  }
0x75: {  	_ =	shalt  }
0x76: {  	_ =	shalt  }
0x77: {  	_ =	shalt  }
0x78: {  	_ =	shalt  }
0x79: {  	_ =	shalt  }
0x7a: {  	_ =	shalt  }
0x7b: {  	_ =	shalt  }
0x7c: {  	_ =	shalt  }
0x7d: {  	_ =	shalt  }
0x7e: {  	_ =	shalt  }
0x7f: {  	_ =	shalt  }
0x80: {  	_ =	shalt  }
0x81: {  	_ =	shalt  }
0x82: {  	_ =	shalt  }
0x83: {  	_ =	shalt  }
0x84: {  	_ =	shalt  }
0x85: {  	_ =	shalt  }
0x86: {  	_ =	shalt  }
0x87: {  	_ =	shalt  }
.Lfunc_end0:
.L_simem_size_0:
called_computation_lowered:
.L_overlay_start_0:
0x88: {  	s2 =	sld [smem:$0x3FD9]  }
0x89: {  	s3 =	sld [smem:$0x3FFE];
	_ =	sdelay $0x1  }
0x8a: {  	s1 =	srdreg.scid  }
0x8b: {  	s0 =	sand.u32 $0x1, s1  }
0x8c: {  	s15 =	sshll.u32 s0, $0xA;
	s2 =	sadd.s32 s3, s2  }
0x8d: {  	s2 =	sadd.s32 s2, s15  }
0x8e: {  	[smem:$0x3FC6] =	sst s2  }
0x8f: {  	_ = 	snop  }
0x90: {  	s2 =	sld [smem:$0x3FD0];
	_ =	sdelay $0x1  }
0x91: {  	s16 =	sld [smem:$0x3FC9]  }
0x92: {  	s5 =	simm.s32 $0xA;
	s6 =	simm.s32 $0x10;
	s4 =	sld [smem:$0x3FC8]  }
0x93: {  	[smem:s6], [sflag:s5] =	dma.local [hbm:s2], $0x1  }
0x94: {  	_ =	swait.eq [sflag:s5], $0x1  }
0x95: {  	[sflag:s5] =	ssyncset.done $0x0  }
0x96: {  	s17 =	sld [smem:$0x10];
	[sflag:s5] =	ssyncadd.s32 $0xFFFFFFFF  }
0x97: {  	s18 =	sld [smem:$0x11];
	(tm) =	ssettm $0x1  }
0x98: {  	s19 =	sld [smem:$0x3FFB];
	_ =	sdelay $0x3  }
0x99: {  	_ =	strace s19  }
0x9a: {  	s6 =	sld [smem:$0x3FFC];
	_ =	sdelay $0x3  }
0x9b: {  	_ =	strace s6  }
0x9c: {  	s6 =	sld [smem:$0x3FFD];
	_ =	sdelay $0x3  }
0x9d: {  	_ =	strace s6  }
0x9e: {  	_ =	strace $0x8FFFFFFF  }
0x9f: {  	s20 =	sld [smem:$0x3FDB];
	_ =	sdelay $0x1  }
0xa0: {  	s7 =	simm.s32 $_scs_section_size  }
0xa1: {  	s8 =	simm.s32 $_size__tile_overlayer_lowered;
	s9 =	simm.s32 $_tile_overlayer_lowered  }
0xa2: {  	s23 =	simm.s32 $0x1BFF;
	s22 =	sshll.u32 s9, $0x1;
	s6 =	sadd.s32 s7, s20  }
0xa3: {  	s10 =	simm.s32 $0x0;
	s21 =	sshll.u32 s8, $0x1;
	s8 =	sadd.s32 s22, s6  }
0xa4: {  	[timem:s10], [sflag:s23] =	dma.local [hbm:s8], s21  }
0xa5: {  	_ =	swait.ge [sflag:s23], s21  }
0xa6: {  	s7 =	ssub.s32 $0x0, s21;
	[sflag:s23] =	ssyncset.done $0x0  }
0xa7: {  	[sflag:s23] =	ssyncadd.s32 s7;
	_ =	sdelay $0x1  }
0xa8: {  	s24 =	simm.s32 $0x1B8B  }
0xa9: {  	_ =	swait.ge [sflag:s24], $0x1  }
0xaa: {  	[sflag:s24] =	ssyncset.done $0x0  }
0xab: {  	s25 =	simm.s32 $0x1B8E;
	[sflag:s24] =	ssyncadd.s32 $0xFFFFFFFF  }
0xac: {  	s26 =	simm.s32 $execute0_lowered;
	[smem:$0x3FD2] =	sst s25  }
0xad: {  	s7 =	sshll.u32 s26, $0x1;
	_ =	strace $0x80000046;
	[dreg:$0x1] =	wrdreg $0xFFFFFFFF  }
0xae: {  	s28 =	simm.s32 $_size_execute0_lowered;
	s6 =	sadd.s32 s6, s7;
	[dreg:$0x0] =	wrdreg $0x0  }
0xaf: {  	s7 =	sshll.u32 s28, $0x1;
	[dreg:$0x2] =	wrdreg s6  }
0xb0: {  	[dreg:$0x3] =	wrdreg s7  }
0xb1: {  	[dreg:$0x4] =	wrdreg $0xC0  }
0xb2: {  	_ =	task [dreg:s10], $0x5FFFF  }
0xb3: {  	[dreg:$0x1] =	wrdreg $0xFFFFFFFF  }
0xb4: {  	[dreg:$0x0] =	wrdreg $0x60  }
0xb5: {  	[dreg:$0x2] =	wrdreg s16  }
0xb6: {  	[dreg:$0x3] =	wrdreg s4  }
0xb7: {  	[dreg:$0x4] =	wrdreg s17  }
0xb8: {  	[dreg:$0x5] =	wrdreg s18  }
0xb9: {  	[dreg:$0x6] =	wrdreg $0x9  }
0xba: {  	_ =	task.clear_ibuf [dreg:s10], $0x7FFFF;
	_ =	strace $0x90000046  }
0xbb: {  	s29 =	simm.s32 $0x9;
	_ =	strace $0x80000048  }
0xbc: {  	_ =	swait.ge [sflag:s29], $0x1  }
0xbd: {  	[sflag:s29] =	ssyncadd.s32 $0xFFFFFFFF  }
0xbe: {  	_ =	strace $0x90000048  }
0xbf: {  	_ =	sfence  }
0xc0: {  	s30 =	sld [smem:$0x0];
	_ =	sdelay $0x2  }
0xc1: {  	s31 =	sshll.u32 s1, $0xD;
	s1 =	sshrl.u32 s1, $0x2  }
0xc2: {  	s3 =	sand.u32 $0x4000, s31;
	s1 =	sadd.s32 s1, s30  }
0xc3: {  	s0 =	sor.u32 s3, s0;
	s1 =	sshll.u32 s1, $0x11  }
0xc4: {  	s0 =	sor.u32 s1, s0  }
0xc5: {  	s0 =	sadd.s32 $0x8F2B, s0  }
0xc6: {  	[sflag:s0] =	ssyncadd.remote.s32 $0x1  }
0xc7: {  	_ =	sfence.sel $0xFFFF  }
0xc8: {  	[dreg:$0x0] =	wrdreg $0xFFFFFFFF;
	(pc) =	sbr.abs _section_cstart, $3  }
0xc9: {  	[dreg:$0x1] =	wrdreg $0xFFFFFFFF  }
0xca: {  	_ =	task.clear_ibuf [dreg:s10], $0x2FFFF;
	_ =	strace $0x9FFFFFFF  }
0xcb: {  	(tm) =	ssettm $0x7FFFFFFF  }
tec
execute0_lowered:
.L_overlay_start_1:
0x0: {  	(tag) =	ssettag $0x1  }
0x1: {  	s3 =	rddreg [dreg:$0x0]  }
0x2: {  	s4 =	rddreg [dreg:$0x1]  }
0x3: {  	s5 =	rddreg [dreg:$0x2];
	s0 =	srdreg.scid  }
0x4: {  	s6 =	rddreg [dreg:$0x3];
	s1 =	stileid.u32  }
0x5: {  	s2 =	simm.s32 $0x0;
	s11 =	simm.s32 $0x0;
	s7 =	sand.u32 $0x1, s0  }
0x6: {  	s0 =	rddreg [dreg:$0x4];
	s8 =	sshll.u32 s7, $0x4;
	s7 =	ssub.s32 $0x2, s7  }
0x7: {  	[smem:$0x7FF] =	sst s2;
	s8 =	sor.u32 s1, s8;
	s9 =	sshrl.u32 s7, $0x1  }
0x8: {  	_ =	strace $0x80000047;
	s10 =	smul.u32 $0x500, s8;
	s7 =	ssub.s32 s7, s9  }
0x9: {  	s8 =	smul.u32 $0x4E2, s8;
	s9 =	simm.s32 $0x2800;
	s7 =	smax.u32 s7, $0x1  }
0xa: {  	s3 =	sadd.s32 s3, s10;
	s4 =	sadd.s32 s4, s10;
	s5 =	sadd.s32 s5, s10  }
0xb: {  	v0 =	vimm.f32 $0.0e+00;
	v1 =	vimm.f32 $1.000000000e+00;
	s6 =	sadd.s32 s6, s8;
	s8 =	simm.s32 $0x1;
	s10 =	simm.s32 $0x5000  }
.LBB2_1:
0xc: {  	s12 =	simm.s32 $0x40;
	s13 =	simm.s32 $0x0  }
.LBB2_2:
0xd: {  	p0 =	sne.s32 s12, $0x9C00;
	[tilespmem:s13+$0x5000] =	vst v0;
	s13 =	smov.u32 s12;
	s12 =	sadd.s32 $0x40, s12  }
.Ltmp0:
0xe: {  	(pc) =	sbr.rel @p0 .LBB2_2-.Ltmp0, $2  }
0xf: {  	_ =	sdelay $0x2  }
0x10: {  	s13 =	sshra.s32 s13, $0x2  }
0x11: {  	[tilespmem:s13+$0x5000] =	vst v0;
	s12 =	simm.s32 $0x0  }
0x12: {  	[tilespmem:s12], [sflag:$0x1] =	stream.linear.gather [hbm4b:s3+s12], $0x2800, $0x38;
	[tilespmem:$0x7710] =	vst v63  }
0x13: {  	_ =	swait.ge [sflag:s8], $0x2800  }
0x14: {  	[sflag:s8] =	ssyncset.done $0x0  }
0x15: {  	[sflag:s8] =	ssyncadd.s32 $0xFFFFD800  }
0x16: {  	[tilespmem:s9], [sflag:$0x1] =	stream.linear.gather [hbm4b:s4+s12], $0x2800, $0x38;
	[tilespmem:$0x7710] =	vst v63  }
0x17: {  	_ =	swait.ge [sflag:s8], $0x2800  }
0x18: {  	[sflag:s8] =	ssyncset.done $0x0  }
0x19: {  	[sflag:s8] =	ssyncadd.s32 $0xFFFFD800  }
.LBB2_4:
0x1a: {  	s13 =	sshra.s32 s12, $0x2  }
0x1b: {  	v2 =	vld [tilespmem:s13+$0x0]  }
0x1c: {  	v3 =	vld [tilespmem:s13+$0x2800];
	_ =	sdelay $0x4  }
0x1d: {  	vm0 =	vne.s32 v2, v3;
	vm1 =	vlt.s32 v2, $0x2710  }
0x1e: {  	vm1 =	vmand vm1, vm0;
	_ =	sdelay $0x5  }
0x1f: {  	[tilespmem:v3+s10+$0x0] =	vst.idx.add.f32.msk vm1, v1  }
0x20: {  	v3 =	vld [tilespmem:s13+$0x10]  }
0x21: {  	v4 =	vld [tilespmem:s13+$0x2810];
	_ =	sdelay $0x4  }
0x22: {  	vm15 =	vne.s32 v3, v4;
	vm2 =	vlt.s32 v3, $0x2710  }
0x23: {  	vm2 =	vmand vm2, vm15;
	_ =	sdelay $0x3  }
0x24: {  	v2 =	vnsel vm0, $0x2710, v2  }
0x25: {  	[tilespmem:s13+$0x0] =	vst v2  }
0x26: {  	[tilespmem:v4+s10+$0x0] =	vst.idx.add.f32.msk vm2, v1  }
0x27: {  	v2 =	vld [tilespmem:s13+$0x20]  }
0x28: {  	v4 =	vld [tilespmem:s13+$0x2820];
	_ =	sdelay $0x4  }
0x29: {  	vm4 =	vne.s32 v2, v4;
	vm5 =	vlt.s32 v2, $0x2710  }
0x2a: {  	vm2 =	vmand vm5, vm4;
	_ =	sdelay $0x3  }
0x2b: {  	v3 =	vnsel vm15, $0x2710, v3  }
0x2c: {  	[tilespmem:s13+$0x10] =	vst v3  }
0x2d: {  	[tilespmem:v4+s10+$0x0] =	vst.idx.add.f32.msk vm2, v1  }
0x2e: {  	v3 =	vld [tilespmem:s13+$0x30]  }
0x2f: {  	v4 =	vld [tilespmem:s13+$0x2830];
	_ =	sdelay $0x4  }
0x30: {  	vm6 =	vne.s32 v3, v4;
	vm7 =	vlt.s32 v3, $0x2710  }
0x31: {  	vm2 =	vmand vm7, vm6;
	_ =	sdelay $0x3  }
0x32: {  	v2 =	vnsel vm4, $0x2710, v2  }
0x33: {  	[tilespmem:s13+$0x20] =	vst v2  }
0x34: {  	[tilespmem:v4+s10+$0x0] =	vst.idx.add.f32.msk vm2, v1  }
0x35: {  	v2 =	vld [tilespmem:s13+$0x40]  }
0x36: {  	v4 =	vld [tilespmem:s13+$0x2840];
	_ =	sdelay $0x4  }
0x37: {  	vm8 =	vne.s32 v2, v4;
	vm9 =	vlt.s32 v2, $0x2710  }
0x38: {  	vm2 =	vmand vm9, vm8;
	_ =	sdelay $0x3  }
0x39: {  	v3 =	vnsel vm6, $0x2710, v3  }
0x3a: {  	[tilespmem:s13+$0x30] =	vst v3  }
0x3b: {  	[tilespmem:v4+s10+$0x0] =	vst.idx.add.f32.msk vm2, v1  }
0x3c: {  	v3 =	vld [tilespmem:s13+$0x50]  }
0x3d: {  	v4 =	vld [tilespmem:s13+$0x2850];
	_ =	sdelay $0x4  }
0x3e: {  	vm10 =	vne.s32 v3, v4;
	vm11 =	vlt.s32 v3, $0x2710  }
0x3f: {  	vm2 =	vmand vm11, vm10;
	_ =	sdelay $0x3  }
0x40: {  	v2 =	vnsel vm8, $0x2710, v2  }
0x41: {  	[tilespmem:s13+$0x40] =	vst v2  }
0x42: {  	[tilespmem:v4+s10+$0x0] =	vst.idx.add.f32.msk vm2, v1  }
0x43: {  	v2 =	vld [tilespmem:s13+$0x60]  }
0x44: {  	v4 =	vld [tilespmem:s13+$0x2860];
	_ =	sdelay $0x4  }
0x45: {  	vm12 =	vne.s32 v2, v4;
	vm13 =	vlt.s32 v2, $0x2710  }
0x46: {  	vm2 =	vmand vm13, vm12;
	_ =	sdelay $0x3  }
0x47: {  	v3 =	vnsel vm10, $0x2710, v3  }
0x48: {  	[tilespmem:s13+$0x50] =	vst v3  }
0x49: {  	[tilespmem:v4+s10+$0x0] =	vst.idx.add.f32.msk vm2, v1  }
0x4a: {  	v3 =	vld [tilespmem:s13+$0x70]  }
0x4b: {  	v4 =	vld [tilespmem:s13+$0x2870];
	_ =	sdelay $0x4  }
0x4c: {  	vm14 =	vne.s32 v3, v4;
	vm15 =	vlt.s32 v3, $0x2710  }
0x4d: {  	vm2 =	vmand vm15, vm14;
	_ =	sdelay $0x1  }
0x4e: {  	p0 =	sne.s32 s12, $0x9E00  }
.Ltmp1:
0x4f: {  	_ = 	snop;
	(pc) =	sbr.rel @p0 .LBB2_4-.Ltmp1, $4  }
0x50: {  	v2 =	vnsel vm12, $0x2710, v2  }
0x51: {  	[tilespmem:s13+$0x60] =	vst v2  }
0x52: {  	v2 =	vnsel vm14, $0x2710, v3;
	[tilespmem:v4+s10+$0x0] =	vst.idx.add.f32.msk vm2, v1  }
0x53: {  	s12 =	sadd.s32 $0x200, s12;
	[tilespmem:s13+$0x70] =	vst v2  }
0x54: {  	[hbm4b:s5+s2] =	stream.linear.scatter [tilespmem:s2], [sflag:$0x1], $0x2800, $0x38;
	[tilespmem:$0x7710] =	vst v63  }
0x55: {  	s11 =	sadd.s32 $0x1, s11;
	_ =	swait.ge [sflag:s8], $0x2800  }
0x56: {  	p0 =	sne.s32 s11, s7;
	[sflag:s8] =	ssyncset.done $0x0  }
.Ltmp2:
0x57: {  	[sflag:s8] =	ssyncadd.s32 $0xFFFFD800;
	(pc) =	sbr.rel @p0 .LBB2_1-.Ltmp2, $4  }
0x58: {  	[hbm4b:s6+s2] =	stream.linear.scatter [tilespmem:s10], [sflag:$0x1], $0x2710, $0x38;
	[tilespmem:$0x7710] =	vst v63  }
0x59: {  	_ =	swait.ge [sflag:s8], $0x2710  }
0x5a: {  	[sflag:s8] =	ssyncset.done $0x0  }
0x5b: {  	[sflag:s8] =	ssyncadd.s32 $0xFFFFD8F0  }
0x5c: {  	_ =	sfence.sel $0x180000  }
0x5d: {  	[bflag:$0x0] =	sbarrier.arrive $0xFFFF  }
0x5e: {  	p0 =	sne.s32 s1, $0x0;
	_ =	strace $0x90000047  }
0x5f: {  	s0 =	sadd.s32 @!p0 $0x100000, s0;
	[bflag:$0x2] =	sbarrier.arrive $0xFFFF  }
0x60: {  	[sflag:s0] =	ssyncadd.tile.s32 @!p0 $0x1;
	_ =	shalt  }
.Lfunc_end2:
_tile_overlayer_lowered:
.L_overlay_start_2:
0x61: {  	(tag) =	ssettag $0x2  }
0x62: {  	s0 =	rddreg [dreg:$0x0];
	s2 =	stileid.u32  }
0x63: {  	s1 =	rddreg [dreg:$0x1];
	p0 =	sne.s32 s2, $0x0  }
0x64: {  	s3 =	rddreg [dreg:$0x2];
	[bflag:$0x3] =	sbarrier.arrive $0xFFFF;
	s2 =	simm.s32 @!p0 $0x1C01  }
0x65: {  	[timem:s3], [sflag:s2] =	dma.local @!p0 [hbm:s0], s1  }
0x66: {  	s0 =	simm.s32 @!p0 $0x1  }
0x67: {  	_ =	swait.ge @!p0 [sflag:s0], s1  }
0x68: {  	s1 =	ssub.s32 @!p0 $0x0, s1;
	[sflag:s0] =	ssyncset.done @!p0 $0x0  }
0x69: {  	[sflag:s0] =	ssyncadd.s32 @!p0 s1  }
0x6a: {  	[bflag:$0x3] =	sbarrier.arrive $0xFFFF  }
0x6b: {  	_ =	shalt  }

</sc_bundles>
